<compile_context>
chip_gen: v7x
topology: tpu7x:2x2x1
jax: 0.10.2.dev20260603
libtpu: 0.0.44.dev20260713+nightly
codegen_flags: <defaults>
</compile_context>

<pallas_src>
import functools

import jax
import jax.numpy as jnp
from jax import lax
from jax.experimental import pallas as pl
from jax.experimental.pallas import tpu as pltpu
from jax.experimental.pallas import tpu_sc as plsc

CHUNK = 1600


@functools.cache
def _build(B: int, V: int, D: int):
    info = plsc.get_sparse_core_info()
    NW = info.num_cores * info.num_subcores
    b_per_w = B // NW
    n_chunks = b_per_w // CHUNK
    assert n_chunks % 2 == 0 and n_chunks >= 4
    mesh = plsc.VectorSubcoreMesh(core_axis_name="c", subcore_axis_name="s")

    scratch = (
        [pltpu.VMEM((CHUNK,), jnp.int32) for _ in range(2)]
        + [pltpu.VMEM((CHUNK, D), jnp.float32) for _ in range(2)]
        + [pltpu.SemaphoreType.DMA for _ in range(6)]
    )

    @functools.partial(
        pl.kernel,
        mesh=mesh,
        out_type=jax.ShapeDtypeStruct((B, D), jnp.float32),
        scratch_types=scratch,
        compiler_params=pltpu.CompilerParams(use_tc_tiling_on_sc=False),
    )
    def gather_kernel(idx_hbm, table_hbm, out_hbm, iv0, iv1, rv0, rv1,
                      si0, si1, sg0, sg1, so0, so1):
        iv = (iv0, iv1)
        rv = (rv0, rv1)
        si = (si0, si1)
        sg = (sg0, sg1)
        so = (so0, so1)
        wid = lax.axis_index("s") * info.num_cores + lax.axis_index("c")
        base = wid * b_per_w

        def idx_slice(i):
            return idx_hbm.at[pl.ds(base + i * CHUNK, CHUNK)]

        def out_slice(i):
            return out_hbm.at[pl.ds(base + i * CHUNK, CHUNK)]

        pltpu.async_copy(idx_slice(0), iv0, si0)
        pltpu.async_copy(idx_slice(1), iv1, si1)
        pltpu.make_async_copy(idx_slice(0), iv0, si0).wait()
        pltpu.async_copy(table_hbm.at[iv0], rv0, sg0)

        def body(g, carry):
            for b in range(2):
                o = 1 - b
                i = 2 * g + b
                pltpu.make_async_copy(table_hbm.at[iv[b]], rv[b], sg[b]).wait()
                pltpu.async_copy(rv[b], out_slice(i), so[b])
                pltpu.async_copy(idx_slice(lax.rem(i + 2, n_chunks)),
                                 iv[b], si[b])

                @pl.when(i < n_chunks - 1)
                def _():
                    pltpu.make_async_copy(idx_slice(i + 1), iv[o], si[o]).wait()

                    @pl.when(i >= 1)
                    def _():
                        pltpu.make_async_copy(
                            rv[o], out_slice(i - 1), so[o]).wait()

                    pltpu.async_copy(table_hbm.at[iv[o]], rv[o], sg[o])
            return carry

        lax.fori_loop(0, n_chunks // 2, body, 0)
        pltpu.make_async_copy(rv0, out_slice(n_chunks - 2), so0).wait()
        pltpu.make_async_copy(rv1, out_slice(n_chunks - 1), so1).wait()
        pltpu.make_async_copy(idx_slice(0), iv0, si0).wait()
        pltpu.make_async_copy(idx_slice(1), iv1, si1).wait()

    return gather_kernel


def kernel(radius, table):
    B0, H = radius.shape
    V, D = table.shape
    flat_idx = radius.reshape(-1).astype(jnp.int32) * 2
    table2 = table.reshape(V * 2, D // 2)
    out = _build(B0 * H, V * 2, D // 2)(flat_idx, table2)
    return out.reshape(B0, H, D // 2)

# --- scband reference (transcript-rebuilt; emitter-appended) ---
"""Pipeline reference for scband-radius-module-50929722196537 (READ-ONLY COPY).

The authoritative reference and input builder live on the scoring server;
editing this copy changes nothing except your own understanding.
"""

import jax, jax.numpy as jnp
import numpy as np

NUM_RADIUS_VALS = 100000
EMBED_DIM = 32
BATCH = 16384
HIST = 200

def setup_inputs(seed: int = 0) -> dict:
    key = jax.random.key(seed)
    k1, k2 = jax.random.split(key)
    radius = jax.random.randint(k1, (BATCH, HIST), 0, NUM_RADIUS_VALS, dtype=jnp.int64 if jax.config.jax_enable_x64 else jnp.int32)
    # nn.Embedding default init: N(0, 1)
    table = jax.random.normal(k2, (NUM_RADIUS_VALS, EMBED_DIM), dtype=jnp.float32)
    return {"radius": radius, "table": table}

def reference(radius, table):
    # Faithful translation of nn.Embedding lookup
    return jnp.take(table, radius, axis=0)

if __name__ == "__main__":
    import jax
    _d = setup_inputs()
    print(jax.jit(kernel)(*tuple(_d.values())))

</pallas_src>

<mosaic_0001>
#map = affine_map<(d0, d1) -> (0)>
#map1 = affine_map<(d0, d1) -> (0, 0)>
module attributes {stable_mosaic.version = 14 : i64} {
  func.func @gather_kernel(%arg0: i32, %arg1: i32, %arg2: memref<3276800xi32, #tpu.memory_space<hbm>>, %arg3: memref<200000x16xf32, #tpu.memory_space<hbm>>, %arg4: memref<3276800x16xf32, #tpu.memory_space<hbm>>, %arg5: memref<1600xi32, #tpu.memory_space<vmem>>, %arg6: memref<1600xi32, #tpu.memory_space<vmem>>, %arg7: memref<1600x16xf32, #tpu.memory_space<vmem>>, %arg8: memref<1600x16xf32, #tpu.memory_space<vmem>>, %arg9: memref<!tpu.dma_semaphore, #tpu.memory_space<semaphore_mem>>, %arg10: memref<!tpu.dma_semaphore, #tpu.memory_space<semaphore_mem>>, %arg11: memref<!tpu.dma_semaphore, #tpu.memory_space<semaphore_mem>>, %arg12: memref<!tpu.dma_semaphore, #tpu.memory_space<semaphore_mem>>, %arg13: memref<!tpu.dma_semaphore, #tpu.memory_space<semaphore_mem>>, %arg14: memref<!tpu.dma_semaphore, #tpu.memory_space<semaphore_mem>>) attributes {dimension_semantics = [#tpu.dimension_semantics<core_parallel>, #tpu.dimension_semantics<subcore_parallel>], iteration_bounds = array<i64: 2, 16>, scalar_prefetch = 0 : i64, scratch_operands = 10 : i64, tpu.core_type = #tpu.core_type<sc_vector_subcore>, window_params = [{transform_indices = #map}, {transform_indices = #map1}, {transform_indices = #map1}]} {
    %mul3A = arith.constant 2 : i32
    %mul3A_0 = arith.muli %arg1, %mul3A : i32
    %add3A = arith.addi %mul3A_0, %arg0 : i32
    %mul3A_1 = arith.constant 102400 : i32
    %mul3A_2 = arith.muli %add3A, %mul3A_1 : i32
    %add3A_3 = arith.constant 0 : i32
    %add3A_4 = arith.addi %mul3A_2, %add3A_3 : i32
    %dma_start3A = tpu.memref_slice %arg2[%add3A_4] : memref<3276800xi32, #tpu.memory_space<hbm>> -> memref<1600xi32, #tpu.memory_space<hbm>>
    %dma_start3A_5 = tpu.memref_slice %arg2[%add3A_4] : memref<3276800xi32, #tpu.memory_space<hbm>> -> memref<1600xi32, #tpu.memory_space<hbm>>
    tpu.enqueue_dma source(%dma_start3A_5 : memref<1600xi32, #tpu.memory_space<hbm>>) target(%arg5 : memref<1600xi32, #tpu.memory_space<vmem>>) target_semaphore(%arg9 : memref<!tpu.dma_semaphore, #tpu.memory_space<semaphore_mem>>)
    %add3A_6 = arith.constant 1600 : i32
    %add3A_7 = arith.addi %mul3A_2, %add3A_6 : i32
    %dma_start3A_8 = tpu.memref_slice %arg2[%add3A_7] : memref<3276800xi32, #tpu.memory_space<hbm>> -> memref<1600xi32, #tpu.memory_space<hbm>>
    %dma_start3A_9 = tpu.memref_slice %arg2[%add3A_7] : memref<3276800xi32, #tpu.memory_space<hbm>> -> memref<1600xi32, #tpu.memory_space<hbm>>
    tpu.enqueue_dma source(%dma_start3A_9 : memref<1600xi32, #tpu.memory_space<hbm>>) target(%arg6 : memref<1600xi32, #tpu.memory_space<vmem>>) target_semaphore(%arg10 : memref<!tpu.dma_semaphore, #tpu.memory_space<semaphore_mem>>)
    %add3A_10 = arith.constant 0 : i32
    %add3A_11 = arith.addi %mul3A_2, %add3A_10 : i32
    %dma_wait3A = tpu.memref_slice %arg2[%add3A_11] : memref<3276800xi32, #tpu.memory_space<hbm>> -> memref<1600xi32, #tpu.memory_space<hbm>>
    %dma_wait3A_12 = tpu.memref_slice %arg2[%add3A_11] : memref<3276800xi32, #tpu.memory_space<hbm>> -> memref<1600xi32, #tpu.memory_space<hbm>>
    tpu.wait_dma2 semaphore(%arg9 : memref<!tpu.dma_semaphore, #tpu.memory_space<semaphore_mem>>) src(%dma_wait3A_12 : memref<1600xi32, #tpu.memory_space<hbm>>) dst(%arg5 : memref<1600xi32, #tpu.memory_space<vmem>>)
    %dma_start3A_13 = arith.constant 0 : i32
    %dma_start3A_14 = arith.constant 0 : i32
    %dma_start3A_15 = tpu.memref_slice %arg3[%dma_start3A_13, %dma_start3A_14] : memref<200000x16xf32, #tpu.memory_space<hbm>> -> memref<200000x16xf32, #tpu.memory_space<hbm>>
    tpu.enqueue_indirect_dma source(%dma_start3A_15 : memref<200000x16xf32, #tpu.memory_space<hbm>>) target(%arg7 : memref<1600x16xf32, #tpu.memory_space<vmem>>) offsets(%arg5 : memref<1600xi32, #tpu.memory_space<vmem>>) semaphore(%arg11 : memref<!tpu.dma_semaphore, #tpu.memory_space<semaphore_mem>>)
    %scan3A = arith.constant 0 : i32
    %scan3A_16 = arith.constant 0 : i32
    %scan3A_17 = arith.constant 32 : i32
    %scan3A_18 = arith.addi %scan3A_16, %scan3A_17 : i32
    %scan3A_19 = arith.constant 1 : i32
    scf.for %scan3A_41 = %scan3A_16 to %scan3A_18 step %scan3A_19  : i32 {
      %mul3A_42 = arith.constant 2 : i32
      %mul3A_43 = arith.muli %mul3A_42, %scan3A_41 : i32
      %add3A_44 = arith.constant 0 : i32
      %add3A_45 = arith.addi %mul3A_43, %add3A_44 : i32
      %dma_wait3A_46 = arith.constant 0 : i32
      %dma_wait3A_47 = arith.constant 0 : i32
      %dma_wait3A_48 = tpu.memref_slice %arg3[%dma_wait3A_46, %dma_wait3A_47] : memref<200000x16xf32, #tpu.memory_space<hbm>> -> memref<200000x16xf32, #tpu.memory_space<hbm>>
      tpu.wait_indirect_dma semaphore(%arg11 : memref<!tpu.dma_semaphore, #tpu.memory_space<semaphore_mem>>) src(%dma_wait3A_48 : memref<200000x16xf32, #tpu.memory_space<hbm>>) dst(%arg7 : memref<1600x16xf32, #tpu.memory_space<vmem>>)
      %mul3A_49 = arith.constant 1600 : i32
      %mul3A_50 = arith.muli %add3A_45, %mul3A_49 : i32
      %add3A_51 = arith.addi %mul3A_2, %mul3A_50 : i32
      %dma_start3A_52 = arith.constant 0 : i32
      %dma_start3A_53 = tpu.memref_slice %arg4[%add3A_51, %dma_start3A_52] : memref<3276800x16xf32, #tpu.memory_space<hbm>> -> memref<1600x16xf32, #tpu.memory_space<hbm>>
      %dma_start3A_54 = arith.constant 0 : i32
      %dma_start3A_55 = tpu.memref_slice %arg4[%add3A_51, %dma_start3A_54] : memref<3276800x16xf32, #tpu.memory_space<hbm>> -> memref<1600x16xf32, #tpu.memory_space<hbm>>
      tpu.enqueue_dma source(%arg7 : memref<1600x16xf32, #tpu.memory_space<vmem>>) target(%dma_start3A_55 : memref<1600x16xf32, #tpu.memory_space<hbm>>) target_semaphore(%arg13 : memref<!tpu.dma_semaphore, #tpu.memory_space<semaphore_mem>>)
      %add3A_56 = arith.constant 2 : i32
      %add3A_57 = arith.addi %add3A_45, %add3A_56 : i32
      %rem3A = arith.constant 64 : i32
      %rem3A_58 = arith.remsi %add3A_57, %rem3A : i32
      %mul3A_59 = arith.constant 1600 : i32
      %mul3A_60 = arith.muli %rem3A_58, %mul3A_59 : i32
      %add3A_61 = arith.addi %mul3A_2, %mul3A_60 : i32
      %dma_start3A_62 = tpu.memref_slice %arg2[%add3A_61] : memref<3276800xi32, #tpu.memory_space<hbm>> -> memref<1600xi32, #tpu.memory_space<hbm>>
      %dma_start3A_63 = tpu.memref_slice %arg2[%add3A_61] : memref<3276800xi32, #tpu.memory_space<hbm>> -> memref<1600xi32, #tpu.memory_space<hbm>>
      tpu.enqueue_dma source(%dma_start3A_63 : memref<1600xi32, #tpu.memory_space<hbm>>) target(%arg5 : memref<1600xi32, #tpu.memory_space<vmem>>) target_semaphore(%arg9 : memref<!tpu.dma_semaphore, #tpu.memory_space<semaphore_mem>>)
      %lt3A = arith.constant 63 : i32
      %lt3A_64 = arith.cmpi slt, %add3A_45, %lt3A : i32
      %convert_element_type3A = arith.extui %lt3A_64 : i1 to i32
      %cond3A = arith.constant 0 : i32
      %cond3A_65 = arith.cmpi ne, %convert_element_type3A, %cond3A : i32
      scf.if %cond3A_65 {
        %add3A_94 = arith.constant 1 : i32
        %add3A_95 = arith.addi %add3A_45, %add3A_94 : i32
        %mul3A_96 = arith.constant 1600 : i32
        %mul3A_97 = arith.muli %add3A_95, %mul3A_96 : i32
        %add3A_98 = arith.addi %mul3A_2, %mul3A_97 : i32
        %dma_wait3A_99 = tpu.memref_slice %arg2[%add3A_98] : memref<3276800xi32, #tpu.memory_space<hbm>> -> memref<1600xi32, #tpu.memory_space<hbm>>
        %dma_wait3A_100 = tpu.memref_slice %arg2[%add3A_98] : memref<3276800xi32, #tpu.memory_space<hbm>> -> memref<1600xi32, #tpu.memory_space<hbm>>
        tpu.wait_dma2 semaphore(%arg10 : memref<!tpu.dma_semaphore, #tpu.memory_space<semaphore_mem>>) src(%dma_wait3A_100 : memref<1600xi32, #tpu.memory_space<hbm>>) dst(%arg6 : memref<1600xi32, #tpu.memory_space<vmem>>)
        %ge3A = arith.constant 1 : i32
        %ge3A_101 = arith.cmpi sge, %add3A_45, %ge3A : i32
        %convert_element_type3A_102 = arith.extui %ge3A_101 : i1 to i32
        %cond3A_103 = arith.constant 0 : i32
        %cond3A_104 = arith.cmpi ne, %convert_element_type3A_102, %cond3A_103 : i32
        scf.if %cond3A_104 {
          %sub3A = arith.constant 1 : i32
          %sub3A_108 = arith.subi %add3A_45, %sub3A : i32
          %mul3A_109 = arith.constant 1600 : i32
          %mul3A_110 = arith.muli %sub3A_108, %mul3A_109 : i32
          %add3A_111 = arith.addi %mul3A_2, %mul3A_110 : i32
          %dma_wait3A_112 = arith.constant 0 : i32
          %dma_wait3A_113 = tpu.memref_slice %arg4[%add3A_111, %dma_wait3A_112] : memref<3276800x16xf32, #tpu.memory_space<hbm>> -> memref<1600x16xf32, #tpu.memory_space<hbm>>
          %dma_wait3A_114 = arith.constant 0 : i32
          %dma_wait3A_115 = tpu.memref_slice %arg4[%add3A_111, %dma_wait3A_114] : memref<3276800x16xf32, #tpu.memory_space<hbm>> -> memref<1600x16xf32, #tpu.memory_space<hbm>>
          tpu.wait_dma2 semaphore(%arg14 : memref<!tpu.dma_semaphore, #tpu.memory_space<semaphore_mem>>) src(%arg8 : memref<1600x16xf32, #tpu.memory_space<vmem>>) dst(%dma_wait3A_115 : memref<1600x16xf32, #tpu.memory_space<hbm>>)
        } else {
        }
        %dma_start3A_105 = arith.constant 0 : i32
        %dma_start3A_106 = arith.constant 0 : i32
        %dma_start3A_107 = tpu.memref_slice %arg3[%dma_start3A_105, %dma_start3A_106] : memref<200000x16xf32, #tpu.memory_space<hbm>> -> memref<200000x16xf32, #tpu.memory_space<hbm>>
        tpu.enqueue_indirect_dma source(%dma_start3A_107 : memref<200000x16xf32, #tpu.memory_space<hbm>>) target(%arg8 : memref<1600x16xf32, #tpu.memory_space<vmem>>) offsets(%arg6 : memref<1600xi32, #tpu.memory_space<vmem>>) semaphore(%arg12 : memref<!tpu.dma_semaphore, #tpu.memory_space<semaphore_mem>>)
      } else {
      }
      %mul3A_66 = arith.constant 2 : i32
      %mul3A_67 = arith.muli %mul3A_66, %scan3A_41 : i32
      %add3A_68 = arith.constant 1 : i32
      %add3A_69 = arith.addi %mul3A_67, %add3A_68 : i32
      %dma_wait3A_70 = arith.constant 0 : i32
      %dma_wait3A_71 = arith.constant 0 : i32
      %dma_wait3A_72 = tpu.memref_slice %arg3[%dma_wait3A_70, %dma_wait3A_71] : memref<200000x16xf32, #tpu.memory_space<hbm>> -> memref<200000x16xf32, #tpu.memory_space<hbm>>
      tpu.wait_indirect_dma semaphore(%arg12 : memref<!tpu.dma_semaphore, #tpu.memory_space<semaphore_mem>>) src(%dma_wait3A_72 : memref<200000x16xf32, #tpu.memory_space<hbm>>) dst(%arg8 : memref<1600x16xf32, #tpu.memory_space<vmem>>)
      %mul3A_73 = arith.constant 1600 : i32
      %mul3A_74 = arith.muli %add3A_69, %mul3A_73 : i32
      %add3A_75 = arith.addi %mul3A_2, %mul3A_74 : i32
      %dma_start3A_76 = arith.constant 0 : i32
      %dma_start3A_77 = tpu.memref_slice %arg4[%add3A_75, %dma_start3A_76] : memref<3276800x16xf32, #tpu.memory_space<hbm>> -> memref<1600x16xf32, #tpu.memory_space<hbm>>
      %dma_start3A_78 = arith.constant 0 : i32
      %dma_start3A_79 = tpu.memref_slice %arg4[%add3A_75, %dma_start3A_78] : memref<3276800x16xf32, #tpu.memory_space<hbm>> -> memref<1600x16xf32, #tpu.memory_space<hbm>>
      tpu.enqueue_dma source(%arg8 : memref<1600x16xf32, #tpu.memory_space<vmem>>) target(%dma_start3A_79 : memref<1600x16xf32, #tpu.memory_space<hbm>>) target_semaphore(%arg14 : memref<!tpu.dma_semaphore, #tpu.memory_space<semaphore_mem>>)
      %add3A_80 = arith.constant 2 : i32
      %add3A_81 = arith.addi %add3A_69, %add3A_80 : i32
      %rem3A_82 = arith.constant 64 : i32
      %rem3A_83 = arith.remsi %add3A_81, %rem3A_82 : i32
      %mul3A_84 = arith.constant 1600 : i32
      %mul3A_85 = arith.muli %rem3A_83, %mul3A_84 : i32
      %add3A_86 = arith.addi %mul3A_2, %mul3A_85 : i32
      %dma_start3A_87 = tpu.memref_slice %arg2[%add3A_86] : memref<3276800xi32, #tpu.memory_space<hbm>> -> memref<1600xi32, #tpu.memory_space<hbm>>
      %dma_start3A_88 = tpu.memref_slice %arg2[%add3A_86] : memref<3276800xi32, #tpu.memory_space<hbm>> -> memref<1600xi32, #tpu.memory_space<hbm>>
      tpu.enqueue_dma source(%dma_start3A_88 : memref<1600xi32, #tpu.memory_space<hbm>>) target(%arg6 : memref<1600xi32, #tpu.memory_space<vmem>>) target_semaphore(%arg10 : memref<!tpu.dma_semaphore, #tpu.memory_space<semaphore_mem>>)
      %lt3A_89 = arith.constant 63 : i32
      %lt3A_90 = arith.cmpi slt, %add3A_69, %lt3A_89 : i32
      %convert_element_type3A_91 = arith.extui %lt3A_90 : i1 to i32
      %cond3A_92 = arith.constant 0 : i32
      %cond3A_93 = arith.cmpi ne, %convert_element_type3A_91, %cond3A_92 : i32
      scf.if %cond3A_93 {
        %add3A_94 = arith.constant 1 : i32
        %add3A_95 = arith.addi %add3A_69, %add3A_94 : i32
        %mul3A_96 = arith.constant 1600 : i32
        %mul3A_97 = arith.muli %add3A_95, %mul3A_96 : i32
        %add3A_98 = arith.addi %mul3A_2, %mul3A_97 : i32
        %dma_wait3A_99 = tpu.memref_slice %arg2[%add3A_98] : memref<3276800xi32, #tpu.memory_space<hbm>> -> memref<1600xi32, #tpu.memory_space<hbm>>
        %dma_wait3A_100 = tpu.memref_slice %arg2[%add3A_98] : memref<3276800xi32, #tpu.memory_space<hbm>> -> memref<1600xi32, #tpu.memory_space<hbm>>
        tpu.wait_dma2 semaphore(%arg9 : memref<!tpu.dma_semaphore, #tpu.memory_space<semaphore_mem>>) src(%dma_wait3A_100 : memref<1600xi32, #tpu.memory_space<hbm>>) dst(%arg5 : memref<1600xi32, #tpu.memory_space<vmem>>)
        %ge3A = arith.constant 1 : i32
        %ge3A_101 = arith.cmpi sge, %add3A_69, %ge3A : i32
        %convert_element_type3A_102 = arith.extui %ge3A_101 : i1 to i32
        %cond3A_103 = arith.constant 0 : i32
        %cond3A_104 = arith.cmpi ne, %convert_element_type3A_102, %cond3A_103 : i32
        scf.if %cond3A_104 {
          %sub3A = arith.constant 1 : i32
          %sub3A_108 = arith.subi %add3A_69, %sub3A : i32
          %mul3A_109 = arith.constant 1600 : i32
          %mul3A_110 = arith.muli %sub3A_108, %mul3A_109 : i32
          %add3A_111 = arith.addi %mul3A_2, %mul3A_110 : i32
          %dma_wait3A_112 = arith.constant 0 : i32
          %dma_wait3A_113 = tpu.memref_slice %arg4[%add3A_111, %dma_wait3A_112] : memref<3276800x16xf32, #tpu.memory_space<hbm>> -> memref<1600x16xf32, #tpu.memory_space<hbm>>
          %dma_wait3A_114 = arith.constant 0 : i32
          %dma_wait3A_115 = tpu.memref_slice %arg4[%add3A_111, %dma_wait3A_114] : memref<3276800x16xf32, #tpu.memory_space<hbm>> -> memref<1600x16xf32, #tpu.memory_space<hbm>>
          tpu.wait_dma2 semaphore(%arg13 : memref<!tpu.dma_semaphore, #tpu.memory_space<semaphore_mem>>) src(%arg7 : memref<1600x16xf32, #tpu.memory_space<vmem>>) dst(%dma_wait3A_115 : memref<1600x16xf32, #tpu.memory_space<hbm>>)
        } else {
        }
        %dma_start3A_105 = arith.constant 0 : i32
        %dma_start3A_106 = arith.constant 0 : i32
        %dma_start3A_107 = tpu.memref_slice %arg3[%dma_start3A_105, %dma_start3A_106] : memref<200000x16xf32, #tpu.memory_space<hbm>> -> memref<200000x16xf32, #tpu.memory_space<hbm>>
        tpu.enqueue_indirect_dma source(%dma_start3A_107 : memref<200000x16xf32, #tpu.memory_space<hbm>>) target(%arg7 : memref<1600x16xf32, #tpu.memory_space<vmem>>) offsets(%arg5 : memref<1600xi32, #tpu.memory_space<vmem>>) semaphore(%arg11 : memref<!tpu.dma_semaphore, #tpu.memory_space<semaphore_mem>>)
      } else {
      }
    }
    %scan3A_20 = arith.constant 32 : i32
    %add3A_21 = arith.constant 99200 : i32
    %add3A_22 = arith.addi %mul3A_2, %add3A_21 : i32
    %dma_wait3A_23 = arith.constant 0 : i32
    %dma_wait3A_24 = tpu.memref_slice %arg4[%add3A_22, %dma_wait3A_23] : memref<3276800x16xf32, #tpu.memory_space<hbm>> -> memref<1600x16xf32, #tpu.memory_space<hbm>>
    %dma_wait3A_25 = arith.constant 0 : i32
    %dma_wait3A_26 = tpu.memref_slice %arg4[%add3A_22, %dma_wait3A_25] : memref<3276800x16xf32, #tpu.memory_space<hbm>> -> memref<1600x16xf32, #tpu.memory_space<hbm>>
    tpu.wait_dma2 semaphore(%arg13 : memref<!tpu.dma_semaphore, #tpu.memory_space<semaphore_mem>>) src(%arg7 : memref<1600x16xf32, #tpu.memory_space<vmem>>) dst(%dma_wait3A_26 : memref<1600x16xf32, #tpu.memory_space<hbm>>)
    %add3A_27 = arith.constant 100800 : i32
    %add3A_28 = arith.addi %mul3A_2, %add3A_27 : i32
    %dma_wait3A_29 = arith.constant 0 : i32
    %dma_wait3A_30 = tpu.memref_slice %arg4[%add3A_28, %dma_wait3A_29] : memref<3276800x16xf32, #tpu.memory_space<hbm>> -> memref<1600x16xf32, #tpu.memory_space<hbm>>
    %dma_wait3A_31 = arith.constant 0 : i32
    %dma_wait3A_32 = tpu.memref_slice %arg4[%add3A_28, %dma_wait3A_31] : memref<3276800x16xf32, #tpu.memory_space<hbm>> -> memref<1600x16xf32, #tpu.memory_space<hbm>>
    tpu.wait_dma2 semaphore(%arg14 : memref<!tpu.dma_semaphore, #tpu.memory_space<semaphore_mem>>) src(%arg8 : memref<1600x16xf32, #tpu.memory_space<vmem>>) dst(%dma_wait3A_32 : memref<1600x16xf32, #tpu.memory_space<hbm>>)
    %add3A_33 = arith.constant 0 : i32
    %add3A_34 = arith.addi %mul3A_2, %add3A_33 : i32
    %dma_wait3A_35 = tpu.memref_slice %arg2[%add3A_34] : memref<3276800xi32, #tpu.memory_space<hbm>> -> memref<1600xi32, #tpu.memory_space<hbm>>
    %dma_wait3A_36 = tpu.memref_slice %arg2[%add3A_34] : memref<3276800xi32, #tpu.memory_space<hbm>> -> memref<1600xi32, #tpu.memory_space<hbm>>
    tpu.wait_dma2 semaphore(%arg9 : memref<!tpu.dma_semaphore, #tpu.memory_space<semaphore_mem>>) src(%dma_wait3A_36 : memref<1600xi32, #tpu.memory_space<hbm>>) dst(%arg5 : memref<1600xi32, #tpu.memory_space<vmem>>)
    %add3A_37 = arith.constant 1600 : i32
    %add3A_38 = arith.addi %mul3A_2, %add3A_37 : i32
    %dma_wait3A_39 = tpu.memref_slice %arg2[%add3A_38] : memref<3276800xi32, #tpu.memory_space<hbm>> -> memref<1600xi32, #tpu.memory_space<hbm>>
    %dma_wait3A_40 = tpu.memref_slice %arg2[%add3A_38] : memref<3276800xi32, #tpu.memory_space<hbm>> -> memref<1600xi32, #tpu.memory_space<hbm>>
    tpu.wait_dma2 semaphore(%arg10 : memref<!tpu.dma_semaphore, #tpu.memory_space<semaphore_mem>>) src(%dma_wait3A_40 : memref<1600xi32, #tpu.memory_space<hbm>>) dst(%arg6 : memref<1600xi32, #tpu.memory_space<vmem>>)
    return
  }
}

</mosaic_0001>

<sc_bundles>
// kernel: kernel.3.cloned.1.call-start
scs
__scs_entry_jumppad:
0x0: {  	(pc) =	sbr.rel $0x88, $3  }
0x1: {  	(tag) =	ssettag $0x0;
	lr =	simm.s32 $0x1  }
0x2: {  	[smem:$0x3F9F] =	sst lr;
	_ =	strace $0xD0000000  }
0x3: {  	_ = 	snop  }
0x4: {  	_ = 	snop  }
0x5: {  	_ = 	snop  }
0x6: {  	_ = 	snop  }
0x7: {  	_ = 	snop  }
__scs_overlays_trampoline_lowered:
0x8: {  	[smem:$0x3FAE] =	sst s0  }
0x9: {  	[smem:$0x3FAF] =	sst s1  }
0xa: {  	[smem:$0x3FB0] =	sst s2  }
0xb: {  	[smem:$0x3FB1] =	sst s3  }
0xc: {  	[smem:$0x3FB2] =	sst s4  }
0xd: {  	[smem:$0x3FB3] =	sst s5  }
0xe: {  	[smem:$0x3FB4] =	sst s6  }
0xf: {  	[smem:$0x3FB5] =	sst s7  }
0x10: {  	[smem:$0x3FB6] =	sst s8  }
0x11: {  	[smem:$0x3FB7] =	sst s9;
	s0 =	simm.s32 @!p0 $0x0  }
0x12: {  	s1 =	sld [smem:$0x3F9D];
	s0 =	simm.s32 @p0 $0x1  }
0x13: {  	[smem:$0x3FB8] =	sst s0;
	s0 =	simm.s32 @!p1 $0x0  }
0x14: {  	s2 =	sld [smem:$0x3F9C];
	s0 =	simm.s32 @p1 $0x1  }
0x15: {  	[smem:$0x3FB9] =	sst s0;
	s0 =	simm.s32 @!p2 $0x0  }
0x16: {  	s3 =	sld [smem:$0x3FDB];
	s0 =	simm.s32 @p2 $0x1  }
0x17: {  	s4 =	simm.s32 $0x1BF5;
	[smem:$0x3FBB] =	sst s0  }
0x18: {  	s0 =	sld [smem:$0x3F9E];
	_ =	swait.ge [sflag:s4], $0x0  }
0x19: {  	s7 =	sld [smem:$0x3F9F]  }
0x1a: {  	s8 =	sadd.s32 $0xFFFFE003, lr  }
0x1b: {  	s9 =	sadd.s32 $0xFFFFFEF7, lr;
	s5 =	simm.s32 $0xFFFFFFFF;
	p2 =	slt.u32 s8, $0xFFFFF086  }
0x1c: {  	p1 =	slt.u32 s9, $0xF7A;
	s5 =	simm.s32 @!p2 $0x0  }
0x1d: {  	s5 =	simm.s32 @p1 $0x1;
	p0 =	seq.s32 s7, s2  }
0x1e: {  	s7 =	smul.u32 @!p0 $0xF7A, s2;
	p2 =	seq.s32 @!p0 s5, $0x0  }
0x1f: {  	s9 =	smul.u32 $0xF7A, s1;
	s8 =	simm.s32 @!p0 $0x1BF5;
	p2 =	por !p2, p0  }
0x20: {  	[sflag:s8] =	ssyncset.s32 @!p0 $0xFFFFF086;
	s6 =	sadd.s32 @!p0 s3, s7;
	s7 =	simm.s32 @!p0 $0x108  }
0x21: {  	s3 =	sadd.s32 s3, s9;
	s6 =	sadd.s32 @!p0 $0x88, s6;
	s7 =	simm.s32 @p2 $0x1082  }
0x22: {  	[simem:s7], [sflag:s8] =	dma.local @!p0 [hbm:s6], $0xF7A  }
0x23: {  	s9 =	sor.u32 $0xD0000000, s2;
	s6 =	simm.s32 $0x108;
	_ =	swait.ge @!p0 [sflag:s8], $0x0  }
0x24: {  	s3 =	sadd.s32 $0x88, s3;
	s6 =	simm.s32 @!p1 $0x1082;
	[sflag:s4] =	ssyncset.s32 $0xFFFFF086  }
0x25: {  	[simem:s6], [sflag:s4] =	dma.local [hbm:s3], $0xF7A  }
0x26: {  	[smem:$0x3F9F] =	sst s1;
	(tag) =	ssettag s2;
	_ =	strace s9  }
0x27: {  	s1 =	sld [smem:$0x3FAF]  }
0x28: {  	s2 =	sld [smem:$0x3FB0]  }
0x29: {  	s4 =	sld [smem:$0x3FB2]  }
0x2a: {  	p0 =	seq.s32 s5, $0x0;
	s5 =	sld [smem:$0x3FB3]  }
0x2b: {  	s6 =	sld [smem:$0x3FB4]  }
0x2c: {  	s7 =	sld [smem:$0x3FB5]  }
0x2d: {  	s3 =	simm.s32 $0x108;
	s8 =	sld [smem:$0x3FB6]  }
0x2e: {  	s3 =	simm.s32 @!p0 $0x1082;
	s9 =	sld [smem:$0x3FB7]  }
0x2f: {  	lr =	sadd.s32 s0, s3;
	s0 =	sld [smem:$0x3FAE]  }
0x30: {  	s3 =	sld [smem:$0x3FB1]  }
0x31: {  	[smem:$0x3FBA] =	sst s10  }
0x32: {  	s10 =	sld [smem:$0x3FB8];
	_ =	sdelay $0x3  }
0x33: {  	p0 =	seq.s32 s10, $0x1;
	s10 =	sld [smem:$0x3FBA];
	_ =	sdelay $0x3  }
0x34: {  	[smem:$0x3FBA] =	sst s10  }
0x35: {  	s10 =	sld [smem:$0x3FB9];
	_ =	sdelay $0x3  }
0x36: {  	p1 =	seq.s32 s10, $0x1;
	s10 =	sld [smem:$0x3FBA];
	_ =	sdelay $0x3  }
0x37: {  	[smem:$0x3FBA] =	sst s10  }
0x38: {  	s10 =	sld [smem:$0x3FBB]  }
0x39: {  	_ = 	snop;
	(pc) =	sbr.ind lr, $3  }
0x3a: {  	_ = 	snop  }
0x3b: {  	_ = 	snop  }
0x3c: {  	p2 =	seq.s32 s10, $0x1;
	s10 =	sld [smem:$0x3FBA]  }
0x3d: {  	_ =	shalt  }
0x3e: {  	_ =	shalt  }
0x3f: {  	_ =	shalt  }
0x40: {  	_ =	shalt  }
0x41: {  	_ =	shalt  }
0x42: {  	_ =	shalt  }
0x43: {  	_ =	shalt  }
0x44: {  	_ =	shalt  }
0x45: {  	_ =	shalt  }
0x46: {  	_ =	shalt  }
0x47: {  	_ =	shalt  }
0x48: {  	_ =	shalt  }
0x49: {  	_ =	shalt  }
0x4a: {  	_ =	shalt  }
0x4b: {  	_ =	shalt  }
0x4c: {  	_ =	shalt  }
0x4d: {  	_ =	shalt  }
0x4e: {  	_ =	shalt  }
0x4f: {  	_ =	shalt  }
0x50: {  	_ =	shalt  }
0x51: {  	_ =	shalt  }
0x52: {  	_ =	shalt  }
0x53: {  	_ =	shalt  }
0x54: {  	_ =	shalt  }
0x55: {  	_ =	shalt  }
0x56: {  	_ =	shalt  }
0x57: {  	_ =	shalt  }
0x58: {  	_ =	shalt  }
0x59: {  	_ =	shalt  }
0x5a: {  	_ =	shalt  }
0x5b: {  	_ =	shalt  }
0x5c: {  	_ =	shalt  }
0x5d: {  	_ =	shalt  }
0x5e: {  	_ =	shalt  }
0x5f: {  	_ =	shalt  }
0x60: {  	_ =	shalt  }
0x61: {  	_ =	shalt  }
0x62: {  	_ =	shalt  }
0x63: {  	_ =	shalt  }
0x64: {  	_ =	shalt  }
0x65: {  	_ =	shalt  }
0x66: {  	_ =	shalt  }
0x67: {  	_ =	shalt  }
0x68: {  	_ =	shalt  }
0x69: {  	_ =	shalt  }
0x6a: {  	_ =	shalt  }
0x6b: {  	_ =	shalt  }
0x6c: {  	_ =	shalt  }
0x6d: {  	_ =	shalt  }
0x6e: {  	_ =	shalt  }
0x6f: {  	_ =	shalt  }
0x70: {  	_ =	shalt  }
0x71: {  	_ =	shalt  }
0x72: {  	_ =	shalt  }
0x73: {  	_ =	shalt  }
0x74: {  	_ =	shalt  }
0x75: {  	_ =	shalt  }
0x76: {  	_ =	shalt  }
0x77: {  	_ =	shalt  }
0x78: {  	_ =	shalt  }
0x79: {  	_ =	shalt  }
0x7a: {  	_ =	shalt  }
0x7b: {  	_ =	shalt  }
0x7c: {  	_ =	shalt  }
0x7d: {  	_ =	shalt  }
0x7e: {  	_ =	shalt  }
0x7f: {  	_ =	shalt  }
0x80: {  	_ =	shalt  }
0x81: {  	_ =	shalt  }
0x82: {  	_ =	shalt  }
0x83: {  	_ =	shalt  }
0x84: {  	_ =	shalt  }
0x85: {  	_ =	shalt  }
0x86: {  	_ =	shalt  }
0x87: {  	_ =	shalt  }
.Lfunc_end0:
.L_simem_size_0:
called_computation.1_lowered:
.L_overlay_start_0:
0x88: {  	s2 =	sld [smem:$0x3FD9]  }
0x89: {  	s3 =	sld [smem:$0x3FFE];
	_ =	sdelay $0x1  }
0x8a: {  	s1 =	srdreg.scid  }
0x8b: {  	s0 =	sand.u32 $0x1, s1  }
0x8c: {  	s17 =	sshll.u32 s0, $0xA;
	s2 =	sadd.s32 s3, s2  }
0x8d: {  	s2 =	sadd.s32 s2, s17  }
0x8e: {  	[smem:$0x3FC6] =	sst s2  }
0x8f: {  	_ = 	snop  }
0x90: {  	s2 =	sld [smem:$0x3FD0];
	(tm) =	ssettm $0x1  }
0x91: {  	s18 =	sld [smem:$0x3FFB];
	_ =	sdelay $0x3  }
0x92: {  	_ =	strace s18  }
0x93: {  	s3 =	sld [smem:$0x3FFC];
	_ =	sdelay $0x3  }
0x94: {  	_ =	strace s3  }
0x95: {  	s3 =	sld [smem:$0x3FFD];
	_ =	sdelay $0x3  }
0x96: {  	_ =	strace s3  }
0x97: {  	_ =	strace $0x8FFFFFFF  }
0x98: {  	s19 =	sld [smem:$0x3FDB];
	_ =	sdelay $0x1  }
0x99: {  	s4 =	simm.s32 $_scs_section_size  }
0x9a: {  	s5 =	simm.s32 $_size__tile_overlayer_lowered;
	s6 =	simm.s32 $_tile_overlayer_lowered  }
0x9b: {  	s22 =	simm.s32 $0x1BFF;
	s21 =	sshll.u32 s6, $0x1;
	s3 =	sadd.s32 s4, s19  }
0x9c: {  	s7 =	simm.s32 $0x0;
	s20 =	sshll.u32 s5, $0x1;
	s5 =	sadd.s32 s21, s3  }
0x9d: {  	[timem:s7], [sflag:s22] =	dma.local [hbm:s5], s20  }
0x9e: {  	_ =	swait.ge [sflag:s22], s20  }
0x9f: {  	s4 =	ssub.s32 $0x0, s20;
	[sflag:s22] =	ssyncset.done $0x0  }
0xa0: {  	[sflag:s22] =	ssyncadd.s32 s4;
	_ =	sdelay $0x1  }
0xa1: {  	s23 =	simm.s32 $0x1B8B  }
0xa2: {  	_ =	swait.ge [sflag:s23], $0x1  }
0xa3: {  	[sflag:s23] =	ssyncset.done $0x0  }
0xa4: {  	s25 =	simm.s32 $0x1B8E;
	s24 =	sld [smem:$0x3FFE];
	[sflag:s23] =	ssyncadd.s32 $0xFFFFFFFF  }
0xa5: {  	s26 =	simm.s32 $execute0_lowered;
	[smem:$0x3FD2] =	sst s25  }
0xa6: {  	s5 =	sshll.u32 s26, $0x1;
	_ =	strace $0x80000046;
	[dreg:$0x1] =	wrdreg $0xFFFFFFFF  }
0xa7: {  	s28 =	simm.s32 $_size_execute0_lowered;
	s3 =	sadd.s32 s3, s5;
	[dreg:$0x0] =	wrdreg $0x0  }
0xa8: {  	s5 =	sshll.u32 s28, $0x1;
	[dreg:$0x2] =	wrdreg s3  }
0xa9: {  	[dreg:$0x3] =	wrdreg s5  }
0xaa: {  	[dreg:$0x4] =	wrdreg $0xC0  }
0xab: {  	_ =	task [dreg:s7], $0x5FFFF  }
0xac: {  	[dreg:$0x1] =	wrdreg $0xFFFFFFFF  }
0xad: {  	[dreg:$0x0] =	wrdreg $0x60  }
0xae: {  	[dreg:$0x2] =	wrdreg s24  }
0xaf: {  	[dreg:$0x3] =	wrdreg s2  }
0xb0: {  	[dreg:$0x4] =	wrdreg $0x9  }
0xb1: {  	_ =	task.clear_ibuf [dreg:s7], $0x5FFFF;
	_ =	strace $0x90000046  }
0xb2: {  	s29 =	simm.s32 $0x9;
	_ =	strace $0x80000048  }
0xb3: {  	_ =	swait.ge [sflag:s29], $0x1  }
0xb4: {  	[sflag:s29] =	ssyncadd.s32 $0xFFFFFFFF  }
0xb5: {  	_ =	strace $0x90000048  }
0xb6: {  	_ =	sfence  }
0xb7: {  	s30 =	sld [smem:$0x0];
	_ =	sdelay $0x2  }
0xb8: {  	s31 =	sshll.u32 s1, $0xD;
	s1 =	sshrl.u32 s1, $0x2  }
0xb9: {  	s3 =	sand.u32 $0x4000, s31;
	s1 =	sadd.s32 s1, s30  }
0xba: {  	s0 =	sor.u32 s3, s0;
	s1 =	sshll.u32 s1, $0x11  }
0xbb: {  	s0 =	sor.u32 s1, s0  }
0xbc: {  	s0 =	sadd.s32 $0x8F2B, s0  }
0xbd: {  	[sflag:s0] =	ssyncadd.remote.s32 $0x1  }
0xbe: {  	_ =	sfence.sel $0xFFFF  }
0xbf: {  	[dreg:$0x0] =	wrdreg $0xFFFFFFFF;
	(pc) =	sbr.abs _section_cstart, $3  }
0xc0: {  	[dreg:$0x1] =	wrdreg $0xFFFFFFFF  }
0xc1: {  	_ =	task.clear_ibuf [dreg:s7], $0x2FFFF;
	_ =	strace $0x9FFFFFFF  }
0xc2: {  	(tm) =	ssettm $0x7FFFFFFF  }
0xc3: {  	_ =	shalt  }
tec
execute0_lowered:
.L_overlay_start_1:
0x0: {  	(tag) =	ssettag $0x1  }
0x1: {  	s3 =	rddreg [dreg:$0x0]  }
0x2: {  	s14 =	rddreg [dreg:$0x1];
	s4 =	srdreg.scid  }
0x3: {  	s1 =	stileid.u32;
	s2 =	simm.s32 $0x0;
	s20 =	simm.s32 $0x3  }
0x4: {  	s21 =	simm.s32 $0x2;
	s22 =	simm.s32 $0x7080;
	s23 =	simm.s32 $0x4  }
0x5: {  	s24 =	simm.s32 $0x5;
	s25 =	simm.s32 $0x6;
	s10 =	smul.u32 $0x32000, s1  }
0x6: {  	s26 =	simm.s32 $0x0;
	s15 =	sand.u32 $0x1, s4;
	s18 =	smul.u32 $0x64000, s1  }
0x7: {  	s30 =	sshll.u32 s1, $0x1;
	[smem:$0x7FF] =	sst s2;
	s11 =	smul.u32 $0x19000, s15  }
0x8: {  	s4 =	sor.u32 s15, s30;
	s6 =	ssub.s32 $0x2, s15;
	s15 =	smul.u32 $0x32000, s15  }
0x9: {  	s16 =	sadd.s32 $0x800, s3;
	s3 =	sadd.s32 $0x64800, s3;
	s5 =	smul.u32 $0x19000, s4  }
0xa: {  	_ =	strace $0x80000047;
	s7 =	smul.u32 $0x32000, s4;
	s31 =	sshrl.u32 s6, $0x1  }
0xb: {  	s18 =	sadd.s32 s18, s14;
	s6 =	ssub.s32 s6, s31;
	s17 =	sadd.s32 s11, s10  }
0xc: {  	s18 =	sadd.s32 s15, s18;
	s5 =	sshrl.u32 s5, $0x3;
	s6 =	smax.u32 s6, $0x1  }
0xd: {  	s7 =	sadd.s32 s14, s7;
	s13 =	sadd.s32 $0x1F40, s17;
	s19 =	sshll.u32 s17, $0x1  }
0xe: {  	s17 =	sadd.s32 $0x1900, s17;
	s4 =	sadd.s32 s16, s5;
	s9 =	sadd.s32 $0xC80, s7  }
0xf: {  	s11 =	sadd.s32 $0x30700, s7;
	s12 =	sadd.s32 $0x31380, s7;
	s13 =	sshrl.u32 s13, $0x3  }
0x10: {  	s19 =	sadd.s32 s14, s19;
	s17 =	sshrl.u32 s17, $0x3;
	s5 =	sadd.s32 $0xC8, s4  }
0x11: {  	s8 =	sadd.s32 $0x190, s4;
	s10 =	sadd.s32 $0x258, s4;
	s13 =	sadd.s32 s13, s16  }
0x12: {  	s14 =	sadd.s32 $0x2580, s19;
	s15 =	sadd.s32 s17, s16;
	s16 =	sadd.s32 $0x1900, s18  }
0x13: {  	s17 =	simm.s32 $0x640;
	s18 =	simm.s32 $0x1;
	s19 =	simm.s32 $0xC80  }
.LBB2_1:
0x14: {  	[tilespmem:s2], [sflag:$0x1] =	stream.linear.gather [hbm4b:s4+s2], $0x640, $0x38;
	[tilespmem:$0xD480] =	vst v63  }
0x15: {  	_ = 	snop  }
0x16: {  	[tilespmem:s17], [sflag:$0x2] =	stream.linear.gather [hbm4b:s5+s2], $0x640, $0x38;
	[tilespmem:$0xD480] =	vst v63  }
0x17: {  	_ =	swait.ge [sflag:s18], $0x640  }
0x18: {  	[sflag:s18] =	ssyncset.done $0x0  }
0x19: {  	[sflag:s18] =	ssyncadd.s32 $0xFFFFF9C0  }
0x1a: {  	[tilespmem:s19], [sflag:$0x3] =	stream.indirect.gather [hbm4b:s3+s17], $0x10, s2, s17, $0xb8;
	[tilespmem:$0xD480] =	vst v63  }
0x1b: {  	_ =	swait.ge [sflag:s20], $0x6400  }
0x1c: {  	[sflag:s20] =	ssyncset.done $0x0  }
0x1d: {  	[sflag:s20] =	ssyncadd.s32 $0xFFFF9C00  }
0x1e: {  	[hbm4b:s7+s2] =	stream.linear.scatter [tilespmem:s19], [sflag:$0x5], $0x6400, $0x38;
	[tilespmem:$0xD480] =	vst v63  }
0x1f: {  	_ = 	snop  }
0x20: {  	[tilespmem:s2], [sflag:$0x1] =	stream.linear.gather [hbm4b:s8+s2], $0x640, $0x38;
	[tilespmem:$0xD480] =	vst v63  }
0x21: {  	_ =	swait.ge [sflag:s21], $0x640  }
0x22: {  	[sflag:s21] =	ssyncset.done $0x0  }
0x23: {  	[sflag:s21] =	ssyncadd.s32 $0xFFFFF9C0  }
0x24: {  	[tilespmem:s22], [sflag:$0x4] =	stream.indirect.gather [hbm4b:s3+s17], $0x10, s17, s17, $0xb8;
	[tilespmem:$0xD480] =	vst v63  }
0x25: {  	_ =	swait.ge [sflag:s23], $0x6400  }
0x26: {  	[sflag:s23] =	ssyncset.done $0x0  }
0x27: {  	[sflag:s23] =	ssyncadd.s32 $0xFFFF9C00  }
0x28: {  	[hbm4b:s9+s2] =	stream.linear.scatter [tilespmem:s22], [sflag:$0x6], $0x6400, $0x38;
	[tilespmem:$0xD480] =	vst v63  }
0x29: {  	_ = 	snop  }
0x2a: {  	[tilespmem:s17], [sflag:$0x2] =	stream.linear.gather [hbm4b:s10+s2], $0x640, $0x38;
	[tilespmem:$0xD480] =	vst v63  }
0x2b: {  	_ =	swait.ge [sflag:s18], $0x640  }
0x2c: {  	[sflag:s18] =	ssyncset.done $0x0  }
0x2d: {  	[sflag:s18] =	ssyncadd.s32 $0xFFFFF9C0  }
0x2e: {  	_ =	swait.ge [sflag:s24], $0x6400  }
0x2f: {  	[sflag:s24] =	ssyncset.done $0x0  }
0x30: {  	[sflag:s24] =	ssyncadd.s32 $0xFFFF9C00  }
0x31: {  	[tilespmem:s19], [sflag:$0x3] =	stream.indirect.gather [hbm4b:s3+s17], $0x10, s2, s17, $0xb8;
	[tilespmem:$0xD480] =	vst v63  }
0x32: {  	_ =	swait.ge [sflag:s20], $0x6400  }
0x33: {  	[sflag:s20] =	ssyncset.done $0x0  }
0x34: {  	[sflag:s20] =	ssyncadd.s32 $0xFFFF9C00  }
0x35: {  	[hbm4b:s16+s2] =	stream.linear.scatter [tilespmem:s19], [sflag:$0x5], $0x6400, $0x38;
	[tilespmem:$0xD480] =	vst v63  }
0x36: {  	s28 =	sadd.s32 $0x0, s15  }
0x37: {  	[tilespmem:s2], [sflag:$0x1] =	stream.linear.gather [hbm4b:s28+s2], $0x640, $0x38;
	[tilespmem:$0xD480] =	vst v63  }
0x38: {  	_ =	swait.ge [sflag:s21], $0x640  }
0x39: {  	[sflag:s21] =	ssyncset.done $0x0  }
0x3a: {  	[sflag:s21] =	ssyncadd.s32 $0xFFFFF9C0  }
0x3b: {  	_ =	swait.ge [sflag:s25], $0x6400  }
0x3c: {  	[sflag:s25] =	ssyncset.done $0x0  }
0x3d: {  	[sflag:s25] =	ssyncadd.s32 $0xFFFF9C00  }
0x3e: {  	[tilespmem:s22], [sflag:$0x4] =	stream.indirect.gather [hbm4b:s3+s17], $0x10, s17, s17, $0xb8;
	[tilespmem:$0xD480] =	vst v63  }
0x3f: {  	_ =	swait.ge [sflag:s23], $0x6400  }
0x40: {  	[sflag:s23] =	ssyncset.done $0x0  }
0x41: {  	[sflag:s23] =	ssyncadd.s32 $0xFFFF9C00  }
0x42: {  	[hbm4b:s14+s2] =	stream.linear.scatter [tilespmem:s22], [sflag:$0x6], $0x6400, $0x38;
	[tilespmem:$0xD480] =	vst v63  }
0x43: {  	s28 =	sadd.s32 $0x0, s13  }
0x44: {  	[tilespmem:s17], [sflag:$0x2] =	stream.linear.gather [hbm4b:s28+s2], $0x640, $0x38;
	[tilespmem:$0xD480] =	vst v63  }
0x45: {  	_ =	swait.ge [sflag:s18], $0x640  }
0x46: {  	[sflag:s18] =	ssyncset.done $0x0  }
0x47: {  	[sflag:s18] =	ssyncadd.s32 $0xFFFFF9C0  }
0x48: {  	_ =	swait.ge [sflag:s24], $0x6400  }
0x49: {  	s29 =	sadd.s32 $0x1900, s14;
	[sflag:s24] =	ssyncset.done $0x0  }
0x4a: {  	s30 =	sadd.s32 $0x1900, s16;
	s28 =	simm.s32 $0x190;
	[sflag:s24] =	ssyncadd.s32 $0xFFFF9C00  }
.LBB2_2:
0x4b: {  	[tilespmem:s19], [sflag:$0x3] =	stream.indirect.gather [hbm4b:s3+s17], $0x10, s2, s17, $0xb8;
	[tilespmem:$0xD480] =	vst v63  }
0x4c: {  	s31 =	smov.u32 s28  }
0x4d: {  	p0 =	sne.s32 s28, $0x2D50;
	s28 =	sadd.s32 $0x190, s28;
	_ =	swait.ge [sflag:s20], $0x6400  }
0x4e: {  	[sflag:s20] =	ssyncset.done $0x0  }
0x4f: {  	[sflag:s20] =	ssyncadd.s32 $0xFFFF9C00  }
0x50: {  	[hbm4b:s30+s2] =	stream.linear.scatter [tilespmem:s19], [sflag:$0x5], $0x6400, $0x38;
	[tilespmem:$0xD480] =	vst v63  }
0x51: {  	s0 =	sadd.s32 s31, s15  }
0x52: {  	[tilespmem:s2], [sflag:$0x1] =	stream.linear.gather [hbm4b:s0+s2], $0x640, $0x38;
	[tilespmem:$0xD480] =	vst v63  }
0x53: {  	_ =	swait.ge [sflag:s21], $0x640  }
0x54: {  	[sflag:s21] =	ssyncset.done $0x0  }
0x55: {  	[sflag:s21] =	ssyncadd.s32 $0xFFFFF9C0  }
0x56: {  	_ =	swait.ge [sflag:s25], $0x6400  }
0x57: {  	[sflag:s25] =	ssyncset.done $0x0  }
0x58: {  	[sflag:s25] =	ssyncadd.s32 $0xFFFF9C00  }
0x59: {  	[tilespmem:s22], [sflag:$0x4] =	stream.indirect.gather [hbm4b:s3+s17], $0x10, s17, s17, $0xb8;
	[tilespmem:$0xD480] =	vst v63  }
0x5a: {  	_ =	swait.ge [sflag:s23], $0x6400  }
0x5b: {  	[sflag:s23] =	ssyncset.done $0x0  }
0x5c: {  	[sflag:s23] =	ssyncadd.s32 $0xFFFF9C00  }
0x5d: {  	[hbm4b:s29+s2] =	stream.linear.scatter [tilespmem:s22], [sflag:$0x6], $0x6400, $0x38;
	[tilespmem:$0xD480] =	vst v63  }
0x5e: {  	s0 =	sadd.s32 s31, s13  }
0x5f: {  	[tilespmem:s17], [sflag:$0x2] =	stream.linear.gather [hbm4b:s0+s2], $0x640, $0x38;
	[tilespmem:$0xD480] =	vst v63  }
0x60: {  	_ =	swait.ge [sflag:s18], $0x640  }
.Ltmp0:
0x61: {  	[sflag:s18] =	ssyncset.done $0x0;
	(pc) =	sbr.rel @p0 .LBB2_2-.Ltmp0, $4  }
0x62: {  	[sflag:s18] =	ssyncadd.s32 $0xFFFFF9C0  }
0x63: {  	_ =	swait.ge [sflag:s24], $0x6400  }
0x64: {  	[sflag:s24] =	ssyncset.done $0x0  }
0x65: {  	s30 =	sadd.s32 $0x1900, s30;
	s29 =	sadd.s32 $0x1900, s29;
	[sflag:s24] =	ssyncadd.s32 $0xFFFF9C00  }
0x66: {  	[tilespmem:s19], [sflag:$0x3] =	stream.indirect.gather [hbm4b:s3+s17], $0x10, s2, s17, $0xb8;
	[tilespmem:$0xD480] =	vst v63  }
0x67: {  	_ =	swait.ge [sflag:s20], $0x6400  }
0x68: {  	[sflag:s20] =	ssyncset.done $0x0  }
0x69: {  	[sflag:s20] =	ssyncadd.s32 $0xFFFF9C00  }
0x6a: {  	[hbm4b:s11+s2] =	stream.linear.scatter [tilespmem:s19], [sflag:$0x5], $0x6400, $0x38;
	[tilespmem:$0xD480] =	vst v63  }
0x6b: {  	_ = 	snop  }
0x6c: {  	[tilespmem:s2], [sflag:$0x1] =	stream.linear.gather [hbm4b:s4+s2], $0x640, $0x38;
	[tilespmem:$0xD480] =	vst v63  }
0x6d: {  	_ =	swait.ge [sflag:s21], $0x640  }
0x6e: {  	[sflag:s21] =	ssyncset.done $0x0  }
0x6f: {  	[sflag:s21] =	ssyncadd.s32 $0xFFFFF9C0  }
0x70: {  	_ =	swait.ge [sflag:s25], $0x6400  }
0x71: {  	[sflag:s25] =	ssyncset.done $0x0  }
0x72: {  	[sflag:s25] =	ssyncadd.s32 $0xFFFF9C00  }
0x73: {  	[tilespmem:s22], [sflag:$0x4] =	stream.indirect.gather [hbm4b:s3+s17], $0x10, s17, s17, $0xb8;
	[tilespmem:$0xD480] =	vst v63  }
0x74: {  	_ =	swait.ge [sflag:s23], $0x6400  }
0x75: {  	[sflag:s23] =	ssyncset.done $0x0  }
0x76: {  	[sflag:s23] =	ssyncadd.s32 $0xFFFF9C00  }
0x77: {  	[hbm4b:s12+s2] =	stream.linear.scatter [tilespmem:s22], [sflag:$0x6], $0x6400, $0x38;
	[tilespmem:$0xD480] =	vst v63  }
0x78: {  	_ = 	snop  }
0x79: {  	[tilespmem:s17], [sflag:$0x2] =	stream.linear.gather [hbm4b:s5+s2], $0x640, $0x38;
	[tilespmem:$0xD480] =	vst v63  }
0x7a: {  	_ =	swait.ge [sflag:s24], $0x6400  }
0x7b: {  	[sflag:s24] =	ssyncset.done $0x0  }
0x7c: {  	[sflag:s24] =	ssyncadd.s32 $0xFFFF9C00  }
0x7d: {  	_ =	swait.ge [sflag:s25], $0x6400  }
0x7e: {  	[sflag:s25] =	ssyncset.done $0x0  }
0x7f: {  	s26 =	sadd.s32 $0x1, s26;
	[sflag:s25] =	ssyncadd.s32 $0xFFFF9C00  }
0x80: {  	p0 =	sne.s32 s26, s6;
	_ =	swait.ge [sflag:s18], $0x640  }
.Ltmp1:
0x81: {  	[sflag:s18] =	ssyncset.done $0x0;
	(pc) =	sbr.rel @p0 .LBB2_1-.Ltmp1, $4  }
0x82: {  	[sflag:s18] =	ssyncadd.s32 $0xFFFFF9C0  }
0x83: {  	_ =	swait.ge [sflag:s21], $0x640  }
0x84: {  	[sflag:s21] =	ssyncset.done $0x0  }
0x85: {  	[sflag:s21] =	ssyncadd.s32 $0xFFFFF9C0  }
0x86: {  	_ =	sfence.sel $0x180000  }
0x87: {  	[bflag:$0x0] =	sbarrier.arrive $0xFFFF  }
0x88: {  	_ =	strace $0x90000047  }
0x89: {  	[bflag:$0x2] =	sbarrier.arrive $0xFFFF  }
0x8a: {  	p0 =	sne.s32 s1, $0x0;
	s0 =	rddreg [dreg:$0x2]  }
0x8b: {  	s0 =	sadd.s32 @!p0 $0x100000, s0  }
0x8c: {  	[sflag:s0] =	ssyncadd.tile.s32 @!p0 $0x1;
	_ =	shalt  }
.Lfunc_end2:
_tile_overlayer_lowered:
.L_overlay_start_2:
0x8d: {  	(tag) =	ssettag $0x2  }
0x8e: {  	s0 =	rddreg [dreg:$0x0];
	s2 =	stileid.u32  }
0x8f: {  	s1 =	rddreg [dreg:$0x1];
	p0 =	sne.s32 s2, $0x0  }
0x90: {  	s3 =	rddreg [dreg:$0x2];
	[bflag:$0x3] =	sbarrier.arrive $0xFFFF;
	s2 =	simm.s32 @!p0 $0x1C07  }
0x91: {  	[timem:s3], [sflag:s2] =	dma.local @!p0 [hbm:s0], s1  }
0x92: {  	s0 =	simm.s32 @!p0 $0x7  }
0x93: {  	_ =	swait.ge @!p0 [sflag:s0], s1  }
0x94: {  	s1 =	ssub.s32 @!p0 $0x0, s1;
	[sflag:s0] =	ssyncset.done @!p0 $0x0  }
0x95: {  	[sflag:s0] =	ssyncadd.s32 @!p0 s1  }
0x96: {  	[bflag:$0x3] =	sbarrier.arrive $0xFFFF  }
0x97: {  	_ =	shalt  }

// kernel: sparse-core-data-format-call.cloned.1.call-start
scs
called_computation_lowered:
.L_overlay_start_0:
0x0: {  	s2 =	sld [smem:$0x3FD9]  }
0x1: {  	s3 =	sld [smem:$0x3FFE];
	_ =	sdelay $0x1  }
0x2: {  	s1 =	srdreg.scid  }
0x3: {  	s0 =	sand.u32 $0x1, s1  }
0x4: {  	s18 =	sshll.u32 s0, $0xA;
	s2 =	sadd.s32 s3, s2  }
0x5: {  	s2 =	sadd.s32 s2, s18  }
0x6: {  	[smem:$0x3FC6] =	sst s2  }
0x7: {  	_ = 	snop  }
0x8: {  	s2 =	sld [smem:$0x3FD0];
	(tm) =	ssettm $0x1  }
0x9: {  	s19 =	sld [smem:$0x3FFB];
	_ =	sdelay $0x3  }
0xa: {  	_ =	strace s19  }
0xb: {  	s3 =	sld [smem:$0x3FFC];
	_ =	sdelay $0x3  }
0xc: {  	_ =	strace s3  }
0xd: {  	s3 =	sld [smem:$0x3FFD];
	_ =	sdelay $0x3  }
0xe: {  	_ =	strace s3  }
0xf: {  	_ =	strace $0x8FFFFFFF  }
0x10: {  	s20 =	sld [smem:$0x3FDB];
	_ =	sdelay $0x1  }
0x11: {  	s4 =	simm.s32 $_scs_section_size  }
0x12: {  	s5 =	simm.s32 $_size__tile_overlayer_lowered;
	s6 =	simm.s32 $_tile_overlayer_lowered  }
0x13: {  	s23 =	simm.s32 $0x1BFF;
	s22 =	sshll.u32 s6, $0x1;
	s3 =	sadd.s32 s4, s20  }
0x14: {  	s7 =	simm.s32 $0x0;
	s21 =	sshll.u32 s5, $0x1;
	s5 =	sadd.s32 s22, s3  }
0x15: {  	[timem:s7], [sflag:s23] =	dma.local [hbm:s5], s21  }
0x16: {  	_ =	swait.ge [sflag:s23], s21  }
0x17: {  	s4 =	ssub.s32 $0x0, s21;
	[sflag:s23] =	ssyncset.done $0x0  }
0x18: {  	[sflag:s23] =	ssyncadd.s32 s4;
	_ =	sdelay $0x1  }
0x19: {  	s24 =	simm.s32 $0x1B8B  }
0x1a: {  	_ =	swait.ge [sflag:s24], $0x1  }
0x1b: {  	[sflag:s24] =	ssyncset.done $0x0  }
0x1c: {  	s26 =	simm.s32 $0x1B8E;
	s25 =	sld [smem:$0x3FFE];
	[sflag:s24] =	ssyncadd.s32 $0xFFFFFFFF  }
0x1d: {  	s27 =	simm.s32 $execute0_lowered;
	[smem:$0x3FD2] =	sst s26  }
0x1e: {  	s5 =	sshll.u32 s27, $0x1;
	_ =	strace $0x80000049;
	[dreg:$0x1] =	wrdreg $0xFFFFFFFF  }
0x1f: {  	s28 =	simm.s32 $_size_execute0_lowered;
	s3 =	sadd.s32 s3, s5;
	[dreg:$0x0] =	wrdreg $0x0  }
0x20: {  	s5 =	sshll.u32 s28, $0x1;
	[dreg:$0x2] =	wrdreg s3  }
0x21: {  	[dreg:$0x3] =	wrdreg s5  }
0x22: {  	[dreg:$0x4] =	wrdreg $0xC0  }
0x23: {  	_ =	task [dreg:s7], $0x5FFFF  }
0x24: {  	[dreg:$0x1] =	wrdreg $0xFFFFFFFF  }
0x25: {  	[dreg:$0x0] =	wrdreg $0x60  }
0x26: {  	[dreg:$0x2] =	wrdreg s25  }
0x27: {  	[dreg:$0x3] =	wrdreg s2  }
0x28: {  	[dreg:$0x4] =	wrdreg $0x9  }
0x29: {  	_ =	task.clear_ibuf [dreg:s7], $0x5FFFF;
	_ =	strace $0x90000049  }
0x2a: {  	s29 =	simm.s32 $0x9;
	_ =	strace $0x8000004B  }
0x2b: {  	_ =	swait.ge [sflag:s29], $0x1  }
0x2c: {  	[sflag:s29] =	ssyncadd.s32 $0xFFFFFFFF  }
0x2d: {  	_ =	strace $0x9000004B  }
0x2e: {  	_ =	sfence  }
0x2f: {  	s30 =	sld [smem:$0x0];
	_ =	sdelay $0x2  }
0x30: {  	s31 =	sshll.u32 s1, $0xD;
	s1 =	sshrl.u32 s1, $0x2  }
0x31: {  	s3 =	sand.u32 $0x4000, s31;
	s1 =	sadd.s32 s1, s30  }
0x32: {  	s0 =	sor.u32 s3, s0;
	s1 =	sshll.u32 s1, $0x11  }
0x33: {  	s0 =	sor.u32 s1, s0  }
0x34: {  	s0 =	sadd.s32 $0x8F2B, s0  }
0x35: {  	[sflag:s0] =	ssyncadd.remote.s32 $0x1  }
0x36: {  	_ =	sfence.sel $0xFFFF  }
0x37: {  	[dreg:$0x0] =	wrdreg $0xFFFFFFFF;
	(pc) =	sbr.abs _section_cstart, $3  }
0x38: {  	[dreg:$0x1] =	wrdreg $0xFFFFFFFF  }
0x39: {  	_ =	task.clear_ibuf [dreg:s7], $0x2FFFF;
	_ =	strace $0x9FFFFFFF  }
0x3a: {  	(tm) =	ssettm $0x7FFFFFFF  }
0x3b: {  	_ =	shalt  }
tec
execute0_lowered:
.L_overlay_start_1:
0x0: {  	(tag) =	ssettag $0x1  }
0x1: {  	s0 =	srdreg.scid  }
0x2: {  	s1 =	sshll.u32 s0, $0x4  }
0x3: {  	s0 =	stileid.u32;
	s1 =	sand.u32 $0x10, s1  }
0x4: {  	s1 =	sor.u32 s0, s1  }
0x5: {  	s6 =	rddreg [dreg:$0x0];
	s4 =	simm.s32 $0x1;
	s2 =	sshll.u32 s1, $0x7  }
0x6: {  	s7 =	simm.s32 $0x2;
	s12 =	simm.s32 $0x0;
	s1 =	ssub.s32 $0x4000, s2  }
0x7: {  	s8 =	simm.s32 $0x20000;
	s13 =	simm.s32 $0x0;
	s3 =	sand.u32 $0xF80, s1  }
0x8: {  	s9 =	simm.s32 $0x0;
	s5 =	sshrl.u32 s1, $0xC;
	p0 =	sne.s32 s3, $0x0  }
.Ltmp0:
0x9: {  	s1 =	rddreg [dreg:$0x2];
	s4 =	simm.s32 @!p0 $0x0;
	(pc) =	sbr.rel .LBB1_1-.Ltmp0, $4  }
0xa: {  	s11 =	simm.s32 $0x0;
	s3 =	rddreg [dreg:$0x1];
	s5 =	sadd.s32 s4, s5  }
0xb: {  	_ =	strace $0x8000004A;
	s4 =	simm.s32 $0x1;
	s5 =	smul.u32 $0xC8, s5  }
0xc: {  	s6 =	sadd.s32 $0x800, s6;
	s10 =	smov.u32 s2;
	[sflag:s4] =	ssyncpa.u1 $0x0  }
0xd: {  	p0 =	por $0x0, $0x0;
	[sflag:s7] =	ssyncpa.u1 $0x0;
	s7 =	sor.u32 $0x1, s5  }
.LBB1_4:
0xe: {  	s16 =	sshll.u32 s13, $0x3;
	s17 =	sand.u32 $0x78, s13  }
0xf: {  	s30 =	sand.u32 $0x7800, s13;
	s12 =	sshll.u32 s12, $0xF;
	s16 =	sand.u32 $0x3C00, s16  }
0x10: {  	s31 =	sand.u32 $0x7, s13;
	s16 =	sor.u32 s17, s16;
	s17 =	sadd.s32 s3, s30  }
0x11: {  	s13 =	sshll.u32 s31, $0x12;
	s16 =	sshrl.u32 s16, $0x3;
	s12 =	sadd.s32 s12, s17  }
0x12: {  	[tilespmem:s15+$0x0 ss:$0x81] =	vst.msk $0xffff, v1;
	s13 =	sor.u32 $0x400, s13;
	s12 =	sadd.s32 s16, s12  }
0x13: {  	[hbm4b:s12+s13] =	stream.strided.scatter [tilespmem:s14], [sflag:$0x2], $0x800, s8, s13, $0x20;
	[tilespmem:$0x2020] =	vst v63  }
.LBB1_5:
0x14: {  	s14 =	sadd.s32 $0x1, s9  }
0x15: {  	s12 =	sadd.s32 $0x1000, s10;
	s16 =	smov.u32 s10;
	p2 =	sgt.s32 s14, $0xC7  }
0x16: {  	s16 =	smov.u32 @p2 s12  }
0x17: {  	s14 =	simm.s32 @p2 $0x0;
	p2 =	sgt.s32 s16, $0x3FFF  }
0x18: {  	s16 =	smov.u32 @p2 s2;
	p2 =	sne.s32 s11, s7  }
.Ltmp1:
0x19: {  	p1 =	slt.u32 s11, $0x2;
	(pc) =	sbr.rel @!p2 .LBB1_6-.Ltmp1, $4  }
0x1a: {  	s15 =	simm.s32 @!p1 $0x2  }
0x1b: {  	s13 =	smov.u32 s10;
	p0 =	por !p0, !p0;
	_ =	swait.ge @!p1 [sflag:s15], $0x800  }
0x1c: {  	s12 =	smov.u32 s9;
	[sflag:s15] =	ssyncset.done @!p1 $0x0;
	s9 =	smov.u32 s14  }
0x1d: {  	s11 =	sadd.s32 $0x1, s11;
	[sflag:s15] =	ssyncadd.s32 @!p1 $0xFFFFF800;
	s10 =	smov.u32 s16  }
.LBB1_1:
0x1e: {  	p1 =	sge.u32 s11, s5  }
0x1f: {  	s14 =	sand.u32 @!p1 $0x1FFFFFF, s9  }
0x20: {  	s15 =	smulhi.u32 @!p1 $0x147AE15, s14;
	_ =	sdelay $0x1  }
0x21: {  	s15 =	smul.u32 @!p1 $0xC8, s15  }
0x22: {  	s16 =	sxor.u32 @!p1 $0xFFFFFFFF, s11;
	s17 =	smul.u32 @!p1 $0xC80, s10  }
0x23: {  	s31 =	sadd.s32 $0xFFFFFFFF, s11;
	s16 =	sshll.u32 @!p1 s16, $0xB;
	s14 =	ssub.s32 @!p1 s14, s15  }
0x24: {  	s15 =	sand.u32 @!p1 $0x800, s16;
	s16 =	sadd.s32 @!p1 s6, s17;
	s14 =	sshll.u32 @!p1 s14, $0x4  }
0x25: {  	s17 =	simm.s32 @!p1 $0x6400;
	s14 =	sadd.s32 @!p1 s14, s16;
	s16 =	simm.s32 @!p1 $0x10  }
0x26: {  	[tilespmem:s15], [sflag:$0x1] =	stream.strided.gather @!p1 [hbm4b:s14+s16], $0x800, s17, s16, $0x38;
	[tilespmem:$0x2020] =	vst v63  }
0x27: {  	p1 =	sge.u32 s31, s5  }
.Ltmp2:
0x28: {  	_ = 	snop;
	(pc) =	sbr.rel @p1 .LBB1_5-.Ltmp2, $1  }
0x29: {  	_ =	sdelay $0x3  }
0x2a: {  	s14 =	simm.s32 $0x1  }
0x2b: {  	s14 =	simm.s32 @!p0 $0x0  }
0x2c: {  	s15 =	sshll.u32 s14, $0xB  }
0x2d: {  	v0 =	vmov s15;
	_ =	sdelay $0x1  }
0x2e: {  	_ =	swait.ge [sflag:s4], $0x800  }
0x2f: {  	s31 =	sand.u32 $0x1, s11;
	[sflag:s4] =	ssyncset.done $0x0  }
0x30: {  	s17 =	simm.s32 $0x0;
	s14 =	smul.u32 $0x2040, s14;
	[sflag:s4] =	ssyncadd.s32 $0xFFFFF800  }
0x31: {  	s15 =	smul.u32 $0x2040, s31;
	v1 =	vld.idx.msk [tilespmem:v0+s17+$0x0 ss:$0x1], $0xffff;
	_ =	sdelay $0x1  }
0x32: {  	s14 =	sshrl.u32 s14, $0x2;
	s16 =	sshrl.u32 s15, $0x2  }
0x33: {  	s15 =	sor.u32 $0x1000, s14;
	s14 =	sor.u32 $0x1000, s16;
	s16 =	simm.s32 $0x40  }
.LBB1_3:
0x34: {  	s17 =	sshra.s32 s16, $0x2;
	p1 =	sne.s32 s16, $0x1FC0;
	s16 =	sadd.s32 $0x40, s16  }
.Ltmp3:
0x35: {  	[tilespmem:s15+$0x0 ss:$0x81] =	vst.msk $0xffff, v1;
	v1 =	vld.idx.msk [tilespmem:v0+s17+$0x0 ss:$0x1], $0xffff;
	(pc) =	sbr.rel @p1 .LBB1_3-.Ltmp3, $2  }
0x36: {  	_ =	sdelay $0x2  }
0x37: {  	s15 =	sadd.s32 $0x1, s15  }
.Ltmp4:
0x38: {  	_ = 	snop;
	(pc) =	sbr.rel .LBB1_4-.Ltmp4, $1  }
0x39: {  	_ =	sdelay $0x3  }
.LBB1_6:
0x3a: {  	_ =	sfence.sel $0x180000  }
0x3b: {  	s2 =	simm.s32 $0x1;
	[bflag:$0x0] =	sbarrier.arrive $0xFFFF  }
0x3c: {  	s31 =	simm.s32 $0x2;
	[sflag:s2] =	ssyncpa.u1 $0x1  }
0x3d: {  	[sflag:s31] =	ssyncpa.u1 $0x1  }
0x3e: {  	p0 =	sne.s32 s0, $0x0;
	_ =	strace $0x9000004A  }
0x3f: {  	s0 =	sadd.s32 @!p0 $0x100000, s1;
	[bflag:$0x2] =	sbarrier.arrive $0xFFFF  }
0x40: {  	[sflag:s0] =	ssyncadd.tile.s32 @!p0 $0x1;
	_ =	shalt  }
.Lfunc_end1:
_tile_overlayer_lowered:
.L_overlay_start_2:
0x41: {  	(tag) =	ssettag $0x2  }
0x42: {  	s0 =	rddreg [dreg:$0x0];
	s2 =	stileid.u32  }
0x43: {  	s1 =	rddreg [dreg:$0x1];
	p0 =	sne.s32 s2, $0x0  }
0x44: {  	s3 =	rddreg [dreg:$0x2];
	[bflag:$0x3] =	sbarrier.arrive $0xFFFF;
	s2 =	simm.s32 @!p0 $0x1C01  }
0x45: {  	[timem:s3], [sflag:s2] =	dma.local @!p0 [hbm:s0], s1  }
0x46: {  	s0 =	simm.s32 @!p0 $0x1  }
0x47: {  	_ =	swait.ge @!p0 [sflag:s0], s1  }
0x48: {  	s1 =	ssub.s32 @!p0 $0x0, s1;
	[sflag:s0] =	ssyncset.done @!p0 $0x0  }
0x49: {  	[sflag:s0] =	ssyncadd.s32 @!p0 s1  }
0x4a: {  	[bflag:$0x3] =	sbarrier.arrive $0xFFFF  }
0x4b: {  	_ =	shalt  }

</sc_bundles>
